<compile_context>
chip_gen: v7x
topology: tpu7x:2x2x1
jax: 0.10.2.dev20260603
libtpu: 0.0.44.dev20260713+nightly
codegen_flags: <defaults>
</compile_context>

<pallas_src>
import jax
import jax.numpy as jnp
from jax import lax
from jax.experimental import pallas as pl
from jax.experimental.pallas import tpu as pltpu
from jax.experimental.pallas import tpu_sc as plsc

DIMS = 1024


def _pe_lookup_body(xi_hbm, yi_hbm, pe_x_hbm, pe_y_hbm, out_hbm,
                    idx_v, row_v, sem):
    wid = lax.axis_index("s") * 2 + lax.axis_index("c")

    @pl.when(wid == 0)
    def _():
        pltpu.sync_copy(xi_hbm, idx_v)
        pltpu.async_copy(pe_x_hbm.at[idx_v], row_v, sem).wait()
        pltpu.sync_copy(row_v, out_hbm.at[pl.ds(0, 1)])

    @pl.when(wid == 1)
    def _():
        pltpu.sync_copy(yi_hbm, idx_v)
        pltpu.async_copy(pe_y_hbm.at[idx_v], row_v, sem).wait()
        pltpu.sync_copy(row_v, out_hbm.at[pl.ds(1, 1)])


def kernel(xy_tensor, pe_x, pe_y):
    xi = xy_tensor[:, 0]
    yi = xy_tensor[:, 1]
    mesh = plsc.VectorSubcoreMesh(core_axis_name="c", subcore_axis_name="s")
    out = pl.kernel(
        _pe_lookup_body,
        out_type=jax.ShapeDtypeStruct((2, DIMS), jnp.float32),
        mesh=mesh,
        scratch_types=[
            pltpu.VMEM((1,), jnp.int32),
            pltpu.VMEM((1, DIMS), jnp.float32),
            pltpu.SemaphoreType.DMA,
        ],
    )(xi, yi, pe_x, pe_y)
    return out.reshape(1, 2 * DIMS)

# --- scband reference (transcript-rebuilt; emitter-appended) ---
"""Pipeline reference for scband-positional-encoder-67542655697058 (READ-ONLY COPY).

The authoritative reference and input builder live on the scoring server;
editing this copy changes nothing except your own understanding.
"""

import jax, jax.numpy as jnp
import numpy as np

DIMS = 1024
MAX_X = 4096
MAX_Y = 4096


def _build_pe(mx, dims):
    # Faithful vectorization of the torch double loop:
    # pe[pos, i]   = sin(pos / 10000**(2*i/dims))       for even i
    # pe[pos, i+1] = cos(pos / 10000**(2*(i+1)/dims))   for odd  i+1
    pos = jnp.arange(mx, dtype=jnp.float32)[:, None]
    i = jnp.arange(0, dims, 2, dtype=jnp.float32)[None, :]
    sin_vals = jnp.sin(pos / jnp.power(10000.0, 2.0 * i / dims))
    cos_vals = jnp.cos(pos / jnp.power(10000.0, 2.0 * (i + 1.0) / dims))
    pe = jnp.zeros((mx, dims), dtype=jnp.float32)
    pe = pe.at[:, 0::2].set(sin_vals)
    pe = pe.at[:, 1::2].set(cos_vals)
    return pe


def setup_inputs(seed: int = 0) -> dict:
    key = jax.random.key(seed)
    xy_tensor = jax.random.randint(key, (1, 2), 0, min(MAX_X, MAX_Y), dtype=jnp.int32)
    pe_x = _build_pe(MAX_X, DIMS)
    pe_y = _build_pe(MAX_Y, DIMS)
    return {"xy_tensor": xy_tensor, "pe_x": pe_x, "pe_y": pe_y}


def reference(xy_tensor, pe_x, pe_y):
    x = xy_tensor[0, 0]
    y = xy_tensor[0, 1]
    pe_x_row = jnp.take(pe_x, x, axis=0)
    pe_y_row = jnp.take(pe_y, y, axis=0)
    pe_xy = jnp.concatenate([pe_x_row, pe_y_row], axis=0)
    return pe_xy[None, :]

if __name__ == "__main__":
    import jax
    _d = setup_inputs()
    print(jax.jit(kernel)(*tuple(_d.values())))

</pallas_src>

<mosaic_0001>
#map = affine_map<(d0, d1) -> (0)>
#map1 = affine_map<(d0, d1) -> (0, 0)>
module attributes {stable_mosaic.version = 14 : i64} {
  func.func @_pe_lookup_body(%arg0: i32, %arg1: i32, %arg2: memref<1xi32, #tpu.memory_space<hbm>>, %arg3: memref<1xi32, #tpu.memory_space<hbm>>, %arg4: memref<4096x1024xf32, #tpu.memory_space<hbm>>, %arg5: memref<4096x1024xf32, #tpu.memory_space<hbm>>, %arg6: memref<2x1024xf32, #tpu.memory_space<hbm>>, %arg7: memref<1xi32, #tpu.memory_space<vmem>>, %arg8: memref<1x1024xf32, #tpu.memory_space<vmem>>, %arg9: memref<!tpu.dma_semaphore, #tpu.memory_space<semaphore_mem>>) attributes {dimension_semantics = [#tpu.dimension_semantics<core_parallel>, #tpu.dimension_semantics<subcore_parallel>], iteration_bounds = array<i64: 2, 16>, scalar_prefetch = 0 : i64, scratch_operands = 3 : i64, tpu.core_type = #tpu.core_type<sc_vector_subcore>, window_params = [{transform_indices = #map}, {transform_indices = #map}, {transform_indices = #map1}, {transform_indices = #map1}, {transform_indices = #map1}]} {
    %mul3A = arith.constant 2 : i32
    %mul3A_0 = arith.muli %arg1, %mul3A : i32
    %add3A = arith.addi %mul3A_0, %arg0 : i32
    %eq3A = arith.constant 0 : i32
    %eq3A_1 = arith.cmpi eq, %add3A, %eq3A : i32
    %convert_element_type3A = arith.extui %eq3A_1 : i1 to i32
    %cond3A = arith.constant 0 : i32
    %cond3A_2 = arith.cmpi ne, %convert_element_type3A, %cond3A : i32
    scf.if %cond3A_2 {
      "tpu.region"() ({
        %run_scoped3A = tpu.sem_alloc : memref<!tpu.dma_semaphore, #tpu.memory_space<semaphore_mem>>
        tpu.enqueue_dma source(%arg2 : memref<1xi32, #tpu.memory_space<hbm>>) target(%arg7 : memref<1xi32, #tpu.memory_space<vmem>>) target_semaphore(%run_scoped3A : memref<!tpu.dma_semaphore, #tpu.memory_space<semaphore_mem>>)
        tpu.wait_dma2 semaphore(%run_scoped3A : memref<!tpu.dma_semaphore, #tpu.memory_space<semaphore_mem>>) src(%arg2 : memref<1xi32, #tpu.memory_space<hbm>>) dst(%arg7 : memref<1xi32, #tpu.memory_space<vmem>>)
        tpu.yield
      }) : () -> ()
      %dma_start3A = arith.constant 0 : i32
      %dma_start3A_8 = arith.constant 0 : i32
      %dma_start3A_9 = tpu.memref_slice %arg4[%dma_start3A, %dma_start3A_8] : memref<4096x1024xf32, #tpu.memory_space<hbm>> -> memref<4096x1024xf32, #tpu.memory_space<hbm>>
      tpu.enqueue_indirect_dma source(%dma_start3A_9 : memref<4096x1024xf32, #tpu.memory_space<hbm>>) target(%arg8 : memref<1x1024xf32, #tpu.memory_space<vmem>>) offsets(%arg7 : memref<1xi32, #tpu.memory_space<vmem>>) semaphore(%arg9 : memref<!tpu.dma_semaphore, #tpu.memory_space<semaphore_mem>>)
      %dma_wait3A = arith.constant 0 : i32
      %dma_wait3A_10 = arith.constant 0 : i32
      %dma_wait3A_11 = tpu.memref_slice %arg4[%dma_wait3A, %dma_wait3A_10] : memref<4096x1024xf32, #tpu.memory_space<hbm>> -> memref<4096x1024xf32, #tpu.memory_space<hbm>>
      tpu.wait_indirect_dma semaphore(%arg9 : memref<!tpu.dma_semaphore, #tpu.memory_space<semaphore_mem>>) src(%dma_wait3A_11 : memref<4096x1024xf32, #tpu.memory_space<hbm>>) dst(%arg8 : memref<1x1024xf32, #tpu.memory_space<vmem>>)
      "tpu.region"() ({
        %run_scoped3A = tpu.sem_alloc : memref<!tpu.dma_semaphore, #tpu.memory_space<semaphore_mem>>
        %dma_start3A_12 = arith.constant 0 : i32
        %dma_start3A_13 = arith.constant 0 : i32
        %dma_start3A_14 = tpu.memref_slice %arg6[%dma_start3A_12, %dma_start3A_13] : memref<2x1024xf32, #tpu.memory_space<hbm>> -> memref<1x1024xf32, #tpu.memory_space<hbm>>
        %dma_start3A_15 = arith.constant 0 : i32
        %dma_start3A_16 = arith.constant 0 : i32
        %dma_start3A_17 = tpu.memref_slice %arg6[%dma_start3A_15, %dma_start3A_16] : memref<2x1024xf32, #tpu.memory_space<hbm>> -> memref<1x1024xf32, #tpu.memory_space<hbm>>
        tpu.enqueue_dma source(%arg8 : memref<1x1024xf32, #tpu.memory_space<vmem>>) target(%dma_start3A_17 : memref<1x1024xf32, #tpu.memory_space<hbm>>) target_semaphore(%run_scoped3A : memref<!tpu.dma_semaphore, #tpu.memory_space<semaphore_mem>>)
        %dma_wait3A_18 = arith.constant 0 : i32
        %dma_wait3A_19 = arith.constant 0 : i32
        %dma_wait3A_20 = tpu.memref_slice %arg6[%dma_wait3A_18, %dma_wait3A_19] : memref<2x1024xf32, #tpu.memory_space<hbm>> -> memref<1x1024xf32, #tpu.memory_space<hbm>>
        %dma_wait3A_21 = arith.constant 0 : i32
        %dma_wait3A_22 = arith.constant 0 : i32
        %dma_wait3A_23 = tpu.memref_slice %arg6[%dma_wait3A_21, %dma_wait3A_22] : memref<2x1024xf32, #tpu.memory_space<hbm>> -> memref<1x1024xf32, #tpu.memory_space<hbm>>
        tpu.wait_dma2 semaphore(%run_scoped3A : memref<!tpu.dma_semaphore, #tpu.memory_space<semaphore_mem>>) src(%arg8 : memref<1x1024xf32, #tpu.memory_space<vmem>>) dst(%dma_wait3A_23 : memref<1x1024xf32, #tpu.memory_space<hbm>>)
        tpu.yield
      }) : () -> ()
    } else {
    }
    %eq3A_3 = arith.constant 1 : i32
    %eq3A_4 = arith.cmpi eq, %add3A, %eq3A_3 : i32
    %convert_element_type3A_5 = arith.extui %eq3A_4 : i1 to i32
    %cond3A_6 = arith.constant 0 : i32
    %cond3A_7 = arith.cmpi ne, %convert_element_type3A_5, %cond3A_6 : i32
    scf.if %cond3A_7 {
      "tpu.region"() ({
        %run_scoped3A = tpu.sem_alloc : memref<!tpu.dma_semaphore, #tpu.memory_space<semaphore_mem>>
        tpu.enqueue_dma source(%arg3 : memref<1xi32, #tpu.memory_space<hbm>>) target(%arg7 : memref<1xi32, #tpu.memory_space<vmem>>) target_semaphore(%run_scoped3A : memref<!tpu.dma_semaphore, #tpu.memory_space<semaphore_mem>>)
        tpu.wait_dma2 semaphore(%run_scoped3A : memref<!tpu.dma_semaphore, #tpu.memory_space<semaphore_mem>>) src(%arg3 : memref<1xi32, #tpu.memory_space<hbm>>) dst(%arg7 : memref<1xi32, #tpu.memory_space<vmem>>)
        tpu.yield
      }) : () -> ()
      %dma_start3A = arith.constant 0 : i32
      %dma_start3A_8 = arith.constant 0 : i32
      %dma_start3A_9 = tpu.memref_slice %arg5[%dma_start3A, %dma_start3A_8] : memref<4096x1024xf32, #tpu.memory_space<hbm>> -> memref<4096x1024xf32, #tpu.memory_space<hbm>>
      tpu.enqueue_indirect_dma source(%dma_start3A_9 : memref<4096x1024xf32, #tpu.memory_space<hbm>>) target(%arg8 : memref<1x1024xf32, #tpu.memory_space<vmem>>) offsets(%arg7 : memref<1xi32, #tpu.memory_space<vmem>>) semaphore(%arg9 : memref<!tpu.dma_semaphore, #tpu.memory_space<semaphore_mem>>)
      %dma_wait3A = arith.constant 0 : i32
      %dma_wait3A_10 = arith.constant 0 : i32
      %dma_wait3A_11 = tpu.memref_slice %arg5[%dma_wait3A, %dma_wait3A_10] : memref<4096x1024xf32, #tpu.memory_space<hbm>> -> memref<4096x1024xf32, #tpu.memory_space<hbm>>
      tpu.wait_indirect_dma semaphore(%arg9 : memref<!tpu.dma_semaphore, #tpu.memory_space<semaphore_mem>>) src(%dma_wait3A_11 : memref<4096x1024xf32, #tpu.memory_space<hbm>>) dst(%arg8 : memref<1x1024xf32, #tpu.memory_space<vmem>>)
      "tpu.region"() ({
        %run_scoped3A = tpu.sem_alloc : memref<!tpu.dma_semaphore, #tpu.memory_space<semaphore_mem>>
        %dma_start3A_12 = arith.constant 1 : i32
        %dma_start3A_13 = arith.constant 0 : i32
        %dma_start3A_14 = tpu.memref_slice %arg6[%dma_start3A_12, %dma_start3A_13] : memref<2x1024xf32, #tpu.memory_space<hbm>> -> memref<1x1024xf32, #tpu.memory_space<hbm>>
        %dma_start3A_15 = arith.constant 1 : i32
        %dma_start3A_16 = arith.constant 0 : i32
        %dma_start3A_17 = tpu.memref_slice %arg6[%dma_start3A_15, %dma_start3A_16] : memref<2x1024xf32, #tpu.memory_space<hbm>> -> memref<1x1024xf32, #tpu.memory_space<hbm>>
        tpu.enqueue_dma source(%arg8 : memref<1x1024xf32, #tpu.memory_space<vmem>>) target(%dma_start3A_17 : memref<1x1024xf32, #tpu.memory_space<hbm>>) target_semaphore(%run_scoped3A : memref<!tpu.dma_semaphore, #tpu.memory_space<semaphore_mem>>)
        %dma_wait3A_18 = arith.constant 1 : i32
        %dma_wait3A_19 = arith.constant 0 : i32
        %dma_wait3A_20 = tpu.memref_slice %arg6[%dma_wait3A_18, %dma_wait3A_19] : memref<2x1024xf32, #tpu.memory_space<hbm>> -> memref<1x1024xf32, #tpu.memory_space<hbm>>
        %dma_wait3A_21 = arith.constant 1 : i32
        %dma_wait3A_22 = arith.constant 0 : i32
        %dma_wait3A_23 = tpu.memref_slice %arg6[%dma_wait3A_21, %dma_wait3A_22] : memref<2x1024xf32, #tpu.memory_space<hbm>> -> memref<1x1024xf32, #tpu.memory_space<hbm>>
        tpu.wait_dma2 semaphore(%run_scoped3A : memref<!tpu.dma_semaphore, #tpu.memory_space<semaphore_mem>>) src(%arg8 : memref<1x1024xf32, #tpu.memory_space<vmem>>) dst(%dma_wait3A_23 : memref<1x1024xf32, #tpu.memory_space<hbm>>)
        tpu.yield
      }) : () -> ()
    } else {
    }
    return
  }
}

</mosaic_0001>

<sc_bundles>
// kernel: kernel.3.cloned.1.call-start
scs
__scs_entry_jumppad:
0x0: {  	(pc) =	sbr.rel $0x88, $3  }
0x1: {  	(tag) =	ssettag $0x0;
	lr =	simm.s32 $0x1  }
0x2: {  	[smem:$0x3F9E] =	sst lr;
	_ =	strace $0xD0000000  }
0x3: {  	_ = 	snop  }
0x4: {  	_ = 	snop  }
0x5: {  	_ = 	snop  }
0x6: {  	_ = 	snop  }
0x7: {  	_ = 	snop  }
__scs_overlays_trampoline_lowered:
0x8: {  	[smem:$0x3FAD] =	sst s0  }
0x9: {  	[smem:$0x3FAE] =	sst s1  }
0xa: {  	[smem:$0x3FAF] =	sst s2  }
0xb: {  	[smem:$0x3FB0] =	sst s3  }
0xc: {  	[smem:$0x3FB1] =	sst s4  }
0xd: {  	[smem:$0x3FB2] =	sst s5  }
0xe: {  	[smem:$0x3FB3] =	sst s6  }
0xf: {  	[smem:$0x3FB4] =	sst s7  }
0x10: {  	[smem:$0x3FB5] =	sst s8  }
0x11: {  	[smem:$0x3FB6] =	sst s9;
	s0 =	simm.s32 @!p0 $0x0  }
0x12: {  	s1 =	sld [smem:$0x3F9C];
	s0 =	simm.s32 @p0 $0x1  }
0x13: {  	[smem:$0x3FB7] =	sst s0;
	s0 =	simm.s32 @!p1 $0x0  }
0x14: {  	s2 =	sld [smem:$0x3F9B];
	s0 =	simm.s32 @p1 $0x1  }
0x15: {  	[smem:$0x3FB8] =	sst s0;
	s0 =	simm.s32 @!p2 $0x0  }
0x16: {  	s3 =	sld [smem:$0x3FDB];
	s0 =	simm.s32 @p2 $0x1  }
0x17: {  	s4 =	simm.s32 $0x1BF5;
	[smem:$0x3FBA] =	sst s0  }
0x18: {  	s0 =	sld [smem:$0x3F9D];
	_ =	swait.ge [sflag:s4], $0x0  }
0x19: {  	s7 =	sld [smem:$0x3F9E]  }
0x1a: {  	s8 =	sadd.s32 $0xFFFFE003, lr  }
0x1b: {  	s9 =	sadd.s32 $0xFFFFFEF7, lr;
	s5 =	simm.s32 $0xFFFFFFFF;
	p2 =	slt.u32 s8, $0xFFFFF086  }
0x1c: {  	p1 =	slt.u32 s9, $0xF7A;
	s5 =	simm.s32 @!p2 $0x0  }
0x1d: {  	s5 =	simm.s32 @p1 $0x1;
	p0 =	seq.s32 s7, s2  }
0x1e: {  	s7 =	smul.u32 @!p0 $0xF7A, s2;
	p2 =	seq.s32 @!p0 s5, $0x0  }
0x1f: {  	s9 =	smul.u32 $0xF7A, s1;
	s8 =	simm.s32 @!p0 $0x1BF5;
	p2 =	por !p2, p0  }
0x20: {  	[sflag:s8] =	ssyncset.s32 @!p0 $0xFFFFF086;
	s6 =	sadd.s32 @!p0 s3, s7;
	s7 =	simm.s32 @!p0 $0x108  }
0x21: {  	s3 =	sadd.s32 s3, s9;
	s6 =	sadd.s32 @!p0 $0x88, s6;
	s7 =	simm.s32 @p2 $0x1082  }
0x22: {  	[simem:s7], [sflag:s8] =	dma.local @!p0 [hbm:s6], $0xF7A  }
0x23: {  	s9 =	sor.u32 $0xD0000000, s2;
	s6 =	simm.s32 $0x108;
	_ =	swait.ge @!p0 [sflag:s8], $0x0  }
0x24: {  	s3 =	sadd.s32 $0x88, s3;
	s6 =	simm.s32 @!p1 $0x1082;
	[sflag:s4] =	ssyncset.s32 $0xFFFFF086  }
0x25: {  	[simem:s6], [sflag:s4] =	dma.local [hbm:s3], $0xF7A  }
0x26: {  	[smem:$0x3F9E] =	sst s1;
	(tag) =	ssettag s2;
	_ =	strace s9  }
0x27: {  	s1 =	sld [smem:$0x3FAE]  }
0x28: {  	s2 =	sld [smem:$0x3FAF]  }
0x29: {  	s4 =	sld [smem:$0x3FB1]  }
0x2a: {  	p0 =	seq.s32 s5, $0x0;
	s5 =	sld [smem:$0x3FB2]  }
0x2b: {  	s6 =	sld [smem:$0x3FB3]  }
0x2c: {  	s7 =	sld [smem:$0x3FB4]  }
0x2d: {  	s3 =	simm.s32 $0x108;
	s8 =	sld [smem:$0x3FB5]  }
0x2e: {  	s3 =	simm.s32 @!p0 $0x1082;
	s9 =	sld [smem:$0x3FB6]  }
0x2f: {  	lr =	sadd.s32 s0, s3;
	s0 =	sld [smem:$0x3FAD]  }
0x30: {  	s3 =	sld [smem:$0x3FB0]  }
0x31: {  	[smem:$0x3FB9] =	sst s10  }
0x32: {  	s10 =	sld [smem:$0x3FB7];
	_ =	sdelay $0x3  }
0x33: {  	p0 =	seq.s32 s10, $0x1;
	s10 =	sld [smem:$0x3FB9];
	_ =	sdelay $0x3  }
0x34: {  	[smem:$0x3FB9] =	sst s10  }
0x35: {  	s10 =	sld [smem:$0x3FB8];
	_ =	sdelay $0x3  }
0x36: {  	p1 =	seq.s32 s10, $0x1;
	s10 =	sld [smem:$0x3FB9];
	_ =	sdelay $0x3  }
0x37: {  	[smem:$0x3FB9] =	sst s10  }
0x38: {  	s10 =	sld [smem:$0x3FBA]  }
0x39: {  	_ = 	snop;
	(pc) =	sbr.ind lr, $3  }
0x3a: {  	_ = 	snop  }
0x3b: {  	_ = 	snop  }
0x3c: {  	p2 =	seq.s32 s10, $0x1;
	s10 =	sld [smem:$0x3FB9]  }
0x3d: {  	_ =	shalt  }
0x3e: {  	_ =	shalt  }
0x3f: {  	_ =	shalt  }
0x40: {  	_ =	shalt  }
0x41: {  	_ =	shalt  }
0x42: {  	_ =	shalt  }
0x43: {  	_ =	shalt  }
0x44: {  	_ =	shalt  }
0x45: {  	_ =	shalt  }
0x46: {  	_ =	shalt  }
0x47: {  	_ =	shalt  }
0x48: {  	_ =	shalt  }
0x49: {  	_ =	shalt  }
0x4a: {  	_ =	shalt  }
0x4b: {  	_ =	shalt  }
0x4c: {  	_ =	shalt  }
0x4d: {  	_ =	shalt  }
0x4e: {  	_ =	shalt  }
0x4f: {  	_ =	shalt  }
0x50: {  	_ =	shalt  }
0x51: {  	_ =	shalt  }
0x52: {  	_ =	shalt  }
0x53: {  	_ =	shalt  }
0x54: {  	_ =	shalt  }
0x55: {  	_ =	shalt  }
0x56: {  	_ =	shalt  }
0x57: {  	_ =	shalt  }
0x58: {  	_ =	shalt  }
0x59: {  	_ =	shalt  }
0x5a: {  	_ =	shalt  }
0x5b: {  	_ =	shalt  }
0x5c: {  	_ =	shalt  }
0x5d: {  	_ =	shalt  }
0x5e: {  	_ =	shalt  }
0x5f: {  	_ =	shalt  }
0x60: {  	_ =	shalt  }
0x61: {  	_ =	shalt  }
0x62: {  	_ =	shalt  }
0x63: {  	_ =	shalt  }
0x64: {  	_ =	shalt  }
0x65: {  	_ =	shalt  }
0x66: {  	_ =	shalt  }
0x67: {  	_ =	shalt  }
0x68: {  	_ =	shalt  }
0x69: {  	_ =	shalt  }
0x6a: {  	_ =	shalt  }
0x6b: {  	_ =	shalt  }
0x6c: {  	_ =	shalt  }
0x6d: {  	_ =	shalt  }
0x6e: {  	_ =	shalt  }
0x6f: {  	_ =	shalt  }
0x70: {  	_ =	shalt  }
0x71: {  	_ =	shalt  }
0x72: {  	_ =	shalt  }
0x73: {  	_ =	shalt  }
0x74: {  	_ =	shalt  }
0x75: {  	_ =	shalt  }
0x76: {  	_ =	shalt  }
0x77: {  	_ =	shalt  }
0x78: {  	_ =	shalt  }
0x79: {  	_ =	shalt  }
0x7a: {  	_ =	shalt  }
0x7b: {  	_ =	shalt  }
0x7c: {  	_ =	shalt  }
0x7d: {  	_ =	shalt  }
0x7e: {  	_ =	shalt  }
0x7f: {  	_ =	shalt  }
0x80: {  	_ =	shalt  }
0x81: {  	_ =	shalt  }
0x82: {  	_ =	shalt  }
0x83: {  	_ =	shalt  }
0x84: {  	_ =	shalt  }
0x85: {  	_ =	shalt  }
0x86: {  	_ =	shalt  }
0x87: {  	_ =	shalt  }
.Lfunc_end0:
.L_simem_size_0:
called_computation_lowered:
.L_overlay_start_0:
0x88: {  	s2 =	sld [smem:$0x3FD9]  }
0x89: {  	s3 =	sld [smem:$0x3FFE];
	_ =	sdelay $0x1  }
0x8a: {  	s1 =	srdreg.scid  }
0x8b: {  	s0 =	sand.u32 $0x1, s1  }
0x8c: {  	s17 =	sshll.u32 s0, $0xA;
	s2 =	sadd.s32 s3, s2  }
0x8d: {  	s2 =	sadd.s32 s2, s17  }
0x8e: {  	[smem:$0x3FC5] =	sst s2  }
0x8f: {  	_ = 	snop  }
0x90: {  	s2 =	sld [smem:$0x3FC8]  }
0x91: {  	s18 =	sld [smem:$0x3FC7]  }
0x92: {  	s4 =	sld [smem:$0x3FD0];
	(tm) =	ssettm $0x1  }
0x93: {  	s5 =	sld [smem:$0x3FFB];
	_ =	sdelay $0x3  }
0x94: {  	_ =	strace s5  }
0x95: {  	s5 =	sld [smem:$0x3FFC];
	_ =	sdelay $0x3  }
0x96: {  	_ =	strace s5  }
0x97: {  	s5 =	sld [smem:$0x3FFD];
	_ =	sdelay $0x3  }
0x98: {  	_ =	strace s5  }
0x99: {  	_ =	strace $0x8FFFFFFF  }
0x9a: {  	s19 =	sld [smem:$0x3FDB];
	_ =	sdelay $0x1  }
0x9b: {  	s6 =	simm.s32 $_scs_section_size  }
0x9c: {  	s7 =	simm.s32 $_size__tile_overlayer_lowered;
	s8 =	simm.s32 $_tile_overlayer_lowered  }
0x9d: {  	s22 =	simm.s32 $0x1BFF;
	s21 =	sshll.u32 s8, $0x1;
	s5 =	sadd.s32 s6, s19  }
0x9e: {  	s9 =	simm.s32 $0x0;
	s20 =	sshll.u32 s7, $0x1;
	s7 =	sadd.s32 s21, s5  }
0x9f: {  	[timem:s9], [sflag:s22] =	dma.local [hbm:s7], s20  }
0xa0: {  	_ =	swait.ge [sflag:s22], s20  }
0xa1: {  	s6 =	ssub.s32 $0x0, s20;
	[sflag:s22] =	ssyncset.done $0x0  }
0xa2: {  	[sflag:s22] =	ssyncadd.s32 s6;
	_ =	sdelay $0x1  }
0xa3: {  	s23 =	simm.s32 $0x1B8B  }
0xa4: {  	_ =	swait.ge [sflag:s23], $0x1  }
0xa5: {  	[sflag:s23] =	ssyncset.done $0x0  }
0xa6: {  	s25 =	simm.s32 $0x1B8E;
	s24 =	sld [smem:$0x3FFE];
	[sflag:s23] =	ssyncadd.s32 $0xFFFFFFFF  }
0xa7: {  	s26 =	simm.s32 $execute0_lowered;
	[smem:$0x3FD2] =	sst s25  }
0xa8: {  	s7 =	sshll.u32 s26, $0x1;
	_ =	strace $0x80000046;
	[dreg:$0x1] =	wrdreg $0xFFFFFFFF  }
0xa9: {  	s28 =	simm.s32 $_size_execute0_lowered;
	s5 =	sadd.s32 s5, s7;
	[dreg:$0x0] =	wrdreg $0x0  }
0xaa: {  	s7 =	sshll.u32 s28, $0x1;
	[dreg:$0x2] =	wrdreg s5  }
0xab: {  	[dreg:$0x3] =	wrdreg s7  }
0xac: {  	[dreg:$0x4] =	wrdreg $0xC0  }
0xad: {  	_ =	task [dreg:s9], $0x5FFFF  }
0xae: {  	[dreg:$0x1] =	wrdreg $0xFFFFFFFF  }
0xaf: {  	[dreg:$0x0] =	wrdreg $0x60  }
0xb0: {  	[dreg:$0x2] =	wrdreg s24  }
0xb1: {  	[dreg:$0x3] =	wrdreg s4  }
0xb2: {  	[dreg:$0x4] =	wrdreg s2  }
0xb3: {  	[dreg:$0x5] =	wrdreg s18  }
0xb4: {  	[dreg:$0x6] =	wrdreg $0x9  }
0xb5: {  	_ =	task.clear_ibuf [dreg:s9], $0x7FFFF;
	_ =	strace $0x90000046  }
0xb6: {  	s29 =	simm.s32 $0x9;
	_ =	strace $0x80000048  }
0xb7: {  	_ =	swait.ge [sflag:s29], $0x1  }
0xb8: {  	[sflag:s29] =	ssyncadd.s32 $0xFFFFFFFF  }
0xb9: {  	_ =	strace $0x90000048  }
0xba: {  	_ =	sfence  }
0xbb: {  	s30 =	sld [smem:$0x0];
	_ =	sdelay $0x2  }
0xbc: {  	s31 =	sshll.u32 s1, $0xD;
	s1 =	sshrl.u32 s1, $0x2  }
0xbd: {  	s3 =	sand.u32 $0x4000, s31;
	s1 =	sadd.s32 s1, s30  }
0xbe: {  	s0 =	sor.u32 s3, s0;
	s1 =	sshll.u32 s1, $0x11  }
0xbf: {  	s0 =	sor.u32 s1, s0  }
0xc0: {  	s0 =	sadd.s32 $0x8F2B, s0  }
0xc1: {  	[sflag:s0] =	ssyncadd.remote.s32 $0x1  }
0xc2: {  	_ =	sfence.sel $0xFFFF  }
0xc3: {  	[dreg:$0x0] =	wrdreg $0xFFFFFFFF;
	(pc) =	sbr.abs _section_cstart, $3  }
0xc4: {  	[dreg:$0x1] =	wrdreg $0xFFFFFFFF  }
0xc5: {  	_ =	task.clear_ibuf [dreg:s9], $0x2FFFF;
	_ =	strace $0x9FFFFFFF  }
0xc6: {  	(tm) =	ssettm $0x7FFFFFFF  }
0xc7: {  	_ =	shalt  }
tec
execute0_lowered:
.L_overlay_start_1:
0x0: {  	(tag) =	ssettag $0x1  }
0x1: {  	s8 =	rddreg [dreg:$0x0]  }
0x2: {  	s1 =	rddreg [dreg:$0x1]  }
0x3: {  	s2 =	rddreg [dreg:$0x2]  }
0x4: {  	s3 =	rddreg [dreg:$0x3]  }
0x5: {  	s0 =	rddreg [dreg:$0x4];
	s4 =	simm.s32 $0x0  }
0x6: {  	s5 =	srdreg.scid;
	s12 =	simm.s32 $0x1;
	s13 =	simm.s32 $0x100  }
0x7: {  	[smem:$0x7FF] =	sst s4;
	s9 =	sand.u32 $0x1, s5;
	s6 =	sadd.s32 $0x600, s8  }
.Ltmp0:
0x8: {  	s5 =	stileid.u32;
	s7 =	sadd.s32 $0x800, s8;
	(pc) =	sbr.rel .LBB2_1-.Ltmp0, $4  }
0x9: {  	s8 =	sadd.s32 $0x810, s8;
	s10 =	ssub.s32 $0x2, s9;
	s31 =	sshll.u32 s5, $0x1  }
0xa: {  	_ =	strace $0x80000047;
	s11 =	sshrl.u32 s10, $0x1;
	s14 =	sor.u32 s9, s31  }
0xb: {  	v1 =	vlaneseq.u32;
	s10 =	ssub.s32 s10, s11;
	p0 =	seq.s32 s14, $0x1;
	s11 =	simm.s32 $0x80  }
0xc: {  	v0 =	vimm.s32 $0x0;
	vm0 =	vmmov $0xff;
	v1 =	vmul.u32 $0x8, v1;
	p1 =	sne.s32 s14, $0x0;
	s9 =	smax.u32 s10, $0x1;
	s10 =	simm.s32 $0x2  }
.LBB2_4:
0xd: {  	[tilespmem:s4], [sflag:$0x2] =	stream.linear.gather [hbm4b:s1+s4], $0x80, $0x38;
	[tilespmem:$0x480] =	vst v63  }
0xe: {  	_ =	swait.ge [sflag:s10], $0x80  }
0xf: {  	[sflag:s10] =	ssyncset.done $0x0  }
0x10: {  	[sflag:s10] =	ssyncadd.s32 $0xFFFFFF80  }
0x11: {  	v2 =	vld.msk [tilespmem:$0x0], $0x1;
	_ =	sdelay $0x4  }
0x12: {  	v3 =	vshll.u32 v2, $0x3  }
0x13: {  	v2 =	vand.u32 $0x7, v2;
	v3 =	vand.u32 $0xFFFFFFC0, v3  }
0x14: {  	v2 =	vor.u32 v2, v3  }
0x15: {  	v2 =	vperm.xlane v2, v0;
	_ =	sdelay $0x1  }
0x16: {  	v2 =	vadd.s32 v1, v2;
	_ =	sdelay $0x4  }
0x17: {  	[tilespmem:s11], [sflag:$0x1] =	stream.indirect_vreg.gather [hbm4b:s3+s4], $0x80, v2, vm0, $0xb8;
	[tilespmem:$0x480] =	vst v63  }
0x18: {  	_ =	swait.ge [sflag:s12], $0x400  }
0x19: {  	[sflag:s12] =	ssyncset.done $0x0  }
0x1a: {  	[sflag:s12] =	ssyncadd.s32 $0xFFFFFC00  }
0x1b: {  	[hbm4b:s8+s11] =	stream.strided.scatter [tilespmem:s11], [sflag:$0x2], $0x400, s13, s11, $0x38;
	[tilespmem:$0x480] =	vst v63  }
.LBB2_5:
0x1c: {  	_ =	swait.ge [sflag:s10], $0x400  }
0x1d: {  	[sflag:s10] =	ssyncset.done $0x0  }
0x1e: {  	[sflag:s10] =	ssyncadd.s32 $0xFFFFFC00  }
.LBB2_6:
0x1f: {  	s9 =	sadd.s32 $0xFFFFFFFF, s9  }
0x20: {  	p2 =	sne.s32 s9, $0x0  }
.Ltmp1:
0x21: {  	_ = 	snop;
	(pc) =	sbr.rel @!p2 .LBB2_7-.Ltmp1, $1  }
0x22: {  	_ =	sdelay $0x3  }
.LBB2_1:
.Ltmp2:
0x23: {  	(pc) =	sbr.rel @p0 .LBB2_4-.Ltmp2, $1  }
0x24: {  	_ =	sdelay $0x3  }
.Ltmp3:
0x25: {  	(pc) =	sbr.rel @p1 .LBB2_6-.Ltmp3, $1  }
0x26: {  	_ =	sdelay $0x3  }
0x27: {  	[tilespmem:s4], [sflag:$0x2] =	stream.linear.gather [hbm4b:s6+s4], $0x80, $0x38;
	[tilespmem:$0x480] =	vst v63  }
0x28: {  	_ =	swait.ge [sflag:s10], $0x80  }
0x29: {  	[sflag:s10] =	ssyncset.done $0x0  }
0x2a: {  	[sflag:s10] =	ssyncadd.s32 $0xFFFFFF80  }
0x2b: {  	v2 =	vld.msk [tilespmem:$0x0], $0x1;
	_ =	sdelay $0x4  }
0x2c: {  	v3 =	vshll.u32 v2, $0x3  }
0x2d: {  	v2 =	vand.u32 $0x7, v2;
	v3 =	vand.u32 $0xFFFFFFC0, v3  }
0x2e: {  	v2 =	vor.u32 v2, v3  }
0x2f: {  	v2 =	vperm.xlane v2, v0;
	_ =	sdelay $0x1  }
0x30: {  	v2 =	vadd.s32 v1, v2;
	_ =	sdelay $0x4  }
0x31: {  	[tilespmem:s11], [sflag:$0x1] =	stream.indirect_vreg.gather [hbm4b:s2+s4], $0x80, v2, vm0, $0xb8;
	[tilespmem:$0x480] =	vst v63  }
.Ltmp4:
0x32: {  	_ = 	snop;
	(pc) =	sbr.rel .LBB2_5-.Ltmp4, $4  }
0x33: {  	_ =	swait.ge [sflag:s12], $0x400  }
0x34: {  	[sflag:s12] =	ssyncset.done $0x0  }
0x35: {  	[sflag:s12] =	ssyncadd.s32 $0xFFFFFC00  }
0x36: {  	[hbm4b:s7+s11] =	stream.strided.scatter [tilespmem:s11], [sflag:$0x2], $0x400, s13, s11, $0x38;
	[tilespmem:$0x480] =	vst v63  }
.LBB2_7:
0x37: {  	_ =	sfence.sel $0x180000  }
0x38: {  	[bflag:$0x0] =	sbarrier.arrive $0xFFFF  }
0x39: {  	p0 =	sne.s32 s5, $0x0;
	_ =	strace $0x90000047  }
0x3a: {  	s0 =	sadd.s32 @!p0 $0x100000, s0;
	[bflag:$0x2] =	sbarrier.arrive $0xFFFF  }
0x3b: {  	[sflag:s0] =	ssyncadd.tile.s32 @!p0 $0x1;
	_ =	shalt  }
.Lfunc_end2:
_tile_overlayer_lowered:
.L_overlay_start_2:
0x3c: {  	(tag) =	ssettag $0x2  }
0x3d: {  	s0 =	rddreg [dreg:$0x0];
	s2 =	stileid.u32  }
0x3e: {  	s1 =	rddreg [dreg:$0x1];
	p0 =	sne.s32 s2, $0x0  }
0x3f: {  	s3 =	rddreg [dreg:$0x2];
	[bflag:$0x3] =	sbarrier.arrive $0xFFFF;
	s2 =	simm.s32 @!p0 $0x1C02  }
0x40: {  	[timem:s3], [sflag:s2] =	dma.local @!p0 [hbm:s0], s1  }
0x41: {  	s0 =	simm.s32 @!p0 $0x2  }
0x42: {  	_ =	swait.ge @!p0 [sflag:s0], s1  }
0x43: {  	s1 =	ssub.s32 @!p0 $0x0, s1;
	[sflag:s0] =	ssyncset.done @!p0 $0x0  }
0x44: {  	[sflag:s0] =	ssyncadd.s32 @!p0 s1  }
0x45: {  	[bflag:$0x3] =	sbarrier.arrive $0xFFFF  }
0x46: {  	_ =	shalt  }

</sc_bundles>
